<compile_context>
chip_gen: v7x
topology: tpu7x:2x2x1
jax: 0.10.2.dev20260603
libtpu: 0.0.44.dev20260713+nightly
codegen_flags: <defaults>
</compile_context>

<pallas_src>
import functools

import jax
import jax.numpy as jnp
from jax import lax
from jax.experimental import pallas as pl
from jax.experimental.pallas import tpu as pltpu
from jax.experimental.pallas import tpu_sc as plsc

B, L, W_CHARS = 1024, 50, 16
CHAR_SIZE = 128
CHAR_DIM = 30
CD_PAD = 32
HIDDEN = 1024
N_TOK = B * L
N_PAIR = W_CHARS // 2
N_LOOK = N_TOK * N_PAIR
PCD = 2 * CD_PAD
K_PAD = W_CHARS * CD_PAD

_NC, _NS = 2, 16
_NW = _NC * _NS
_LPW = N_LOOK // _NW
_GLOOK = 1280
_NG = _LPW // _GLOOK

_sc_mesh = plsc.VectorSubcoreMesh(
    core_axis_name="c", subcore_axis_name="s", num_cores=_NC, num_subcores=_NS
)


@functools.partial(
    pl.kernel,
    out_type=jax.ShapeDtypeStruct((N_LOOK, PCD), jnp.bfloat16),
    mesh=_sc_mesh,
    scratch_types=[
        pltpu.VMEM((_LPW,), jnp.int32),
        pltpu.VMEM((2, _GLOOK, PCD), jnp.bfloat16),
        pltpu.SemaphoreType.DMA,
        pltpu.SemaphoreType.DMA,
    ],
    compiler_params=pltpu.CompilerParams(use_tc_tiling_on_sc=False),
)
def _sc_gather(idx_hbm, tab_hbm, emb_hbm, idx_v, rows_v, gsem, wsem):
    wid = lax.axis_index("s") * _NC + lax.axis_index("c")
    pltpu.sync_copy(idx_hbm.at[wid], idx_v)
    base = wid * _LPW

    def write_desc(g, b):
        return pltpu.make_async_copy(
            rows_v.at[b],
            emb_hbm.at[pl.ds(base + g * _GLOOK, _GLOOK)],
            wsem,
        )

    def gather_desc(g, b):
        return pltpu.make_async_copy(
            tab_hbm.at[idx_v.at[pl.ds(g * _GLOOK, _GLOOK)]],
            rows_v.at[b],
            gsem,
        )

    @pl.loop(0, _NG, step=2)
    def _group(g0):
        for nb in range(2):
            g = g0 + nb

            @pl.when(g >= 2)
            def _():
                write_desc(g - 2, nb).wait()

            gather_desc(g, nb).start()
            gather_desc(g, nb).wait()
            write_desc(g, nb).start()

    for nb in range(2):
        write_desc(_NG - 2 + nb, nb).wait()


_TB = B


def _mm_body(e_ref, wt_ref, o_ref):
    e = e_ref[:].reshape(_TB, K_PAD)
    o_ref[0] = jnp.dot(e, wt_ref[:], preferred_element_type=jnp.float32)


@jax.jit
def kernel(X, char_table, W_proj):
    xt = X.transpose(1, 0, 2)
    idx = (xt[..., 0::2] * CHAR_SIZE + xt[..., 1::2]).reshape(_NW, _LPW)
    tab32 = jnp.pad(char_table, ((0, 0), (0, CD_PAD - CHAR_DIM))).astype(jnp.bfloat16)
    tabp = jnp.concatenate(
        [jnp.repeat(tab32, CHAR_SIZE, axis=0), jnp.tile(tab32, (CHAR_SIZE, 1))],
        axis=1,
    )
    emb = _sc_gather(idx, tabp)

    wt = jnp.pad(
        W_proj.reshape(HIDDEN, W_CHARS, CHAR_DIM),
        ((0, 0), (0, 0), (0, CD_PAD - CHAR_DIM)),
    ).reshape(HIDDEN, K_PAD).T.astype(jnp.bfloat16)

    out = pl.pallas_call(
        _mm_body,
        grid=(N_TOK // _TB,),
        in_specs=[
            pl.BlockSpec((_TB * 2, K_PAD // 2), lambda i: (i, 0)),
            pl.BlockSpec((K_PAD, HIDDEN), lambda i: (0, 0)),
        ],
        out_specs=pl.BlockSpec((1, B, HIDDEN), lambda i: (i, 0, 0)),
        out_shape=jax.ShapeDtypeStruct((L, B, HIDDEN), jnp.float32),
    )(emb.reshape(N_TOK * 2, K_PAD // 2), wt)
    return out.transpose(1, 0, 2)

# --- scband reference (transcript-rebuilt; emitter-appended) ---
"""Pipeline reference for scband-char-embeddings-56513179681390 (READ-ONLY COPY).

The authoritative reference and input builder live on the scoring server;
editing this copy changes nothing except your own understanding.
"""

import jax, jax.numpy as jnp
import numpy as np

B, L, W_CHARS = 1024, 50, 16
CHAR_SIZE = 128
CHAR_DIM = 30
EMBED_SIZE = W_CHARS * CHAR_DIM  # 480
HIDDEN_SIZE = 1024


def setup_inputs(seed: int = 0) -> dict:
    key = jax.random.key(seed)
    k1, k2, k3 = jax.random.split(key, 3)
    X = jax.random.randint(k1, (B, L, W_CHARS), 0, CHAR_SIZE, dtype=jnp.int32)
    # nn.Embedding(char_size, 30) weight
    char_table = jax.random.normal(k2, (CHAR_SIZE, CHAR_DIM), dtype=jnp.float32) * 0.02
    # nn.Linear(embed_size, hidden_size, bias=False) weight: [out_features, in_features]
    W_proj = jax.random.normal(k3, (HIDDEN_SIZE, EMBED_SIZE), dtype=jnp.float32) * 0.02
    return {"X": X, "char_table": char_table, "W_proj": W_proj}


def reference(X, char_table, W_proj):
    # X: int[B, L, W_CHARS]
    emb = jnp.take(char_table, X, axis=0)  # [B, L, W_CHARS, CHAR_DIM]
    emb = emb.reshape(emb.shape[0], emb.shape[1], EMBED_SIZE)  # [B, L, 480]
    out = emb @ W_proj.T  # [B, L, HIDDEN_SIZE]
    return out

if __name__ == "__main__":
    import jax
    _d = setup_inputs()
    print(jax.jit(kernel)(*tuple(_d.values())))

</pallas_src>

<mosaic_0001>
#map = affine_map<(d0, d1) -> (0, 0)>
module attributes {stable_mosaic.version = 14 : i64} {
  func.func @_sc_gather(%arg0: i32, %arg1: i32, %arg2: memref<32x12800xi32, #tpu.memory_space<hbm>>, %arg3: memref<16384x64xbf16, #tpu.memory_space<hbm>>, %arg4: memref<409600x64xbf16, #tpu.memory_space<hbm>>, %arg5: memref<12800xi32, #tpu.memory_space<vmem>>, %arg6: memref<2x1280x64xbf16, #tpu.memory_space<vmem>>, %arg7: memref<!tpu.dma_semaphore, #tpu.memory_space<semaphore_mem>>, %arg8: memref<!tpu.dma_semaphore, #tpu.memory_space<semaphore_mem>>) attributes {dimension_semantics = [#tpu.dimension_semantics<core_parallel>, #tpu.dimension_semantics<subcore_parallel>], iteration_bounds = array<i64: 2, 16>, scalar_prefetch = 0 : i64, scratch_operands = 4 : i64, tpu.core_type = #tpu.core_type<sc_vector_subcore>, window_params = [{transform_indices = #map}, {transform_indices = #map}, {transform_indices = #map}]} {
    %mul3A = arith.constant 2 : i32
    %mul3A_0 = arith.muli %arg1, %mul3A : i32
    %add3A = arith.addi %mul3A_0, %arg0 : i32
    "tpu.region"() ({
      %run_scoped3A = tpu.sem_alloc : memref<!tpu.dma_semaphore, #tpu.memory_space<semaphore_mem>>
      %dma_start3A = arith.constant 0 : i32
      %dma_start3A_36 = tpu.memref_slice %arg2[%add3A, %dma_start3A] : memref<32x12800xi32, #tpu.memory_space<hbm>> -> memref<1x12800xi32, #tpu.memory_space<hbm>>
      %dma_start3A_37 = tpu.memref_squeeze %dma_start3A_36 : memref<1x12800xi32, #tpu.memory_space<hbm>> -> memref<12800xi32, #tpu.memory_space<hbm>>
      %dma_start3A_38 = arith.constant 0 : i32
      %dma_start3A_39 = tpu.memref_slice %arg2[%add3A, %dma_start3A_38] : memref<32x12800xi32, #tpu.memory_space<hbm>> -> memref<1x12800xi32, #tpu.memory_space<hbm>>
      %dma_start3A_40 = tpu.memref_squeeze %dma_start3A_39 : memref<1x12800xi32, #tpu.memory_space<hbm>> -> memref<12800xi32, #tpu.memory_space<hbm>>
      tpu.enqueue_dma source(%dma_start3A_40 : memref<12800xi32, #tpu.memory_space<hbm>>) target(%arg5 : memref<12800xi32, #tpu.memory_space<vmem>>) target_semaphore(%run_scoped3A : memref<!tpu.dma_semaphore, #tpu.memory_space<semaphore_mem>>)
      %dma_wait3A_41 = arith.constant 0 : i32
      %dma_wait3A_42 = tpu.memref_slice %arg2[%add3A, %dma_wait3A_41] : memref<32x12800xi32, #tpu.memory_space<hbm>> -> memref<1x12800xi32, #tpu.memory_space<hbm>>
      %dma_wait3A_43 = tpu.memref_squeeze %dma_wait3A_42 : memref<1x12800xi32, #tpu.memory_space<hbm>> -> memref<12800xi32, #tpu.memory_space<hbm>>
      %dma_wait3A_44 = arith.constant 0 : i32
      %dma_wait3A_45 = tpu.memref_slice %arg2[%add3A, %dma_wait3A_44] : memref<32x12800xi32, #tpu.memory_space<hbm>> -> memref<1x12800xi32, #tpu.memory_space<hbm>>
      %dma_wait3A_46 = tpu.memref_squeeze %dma_wait3A_45 : memref<1x12800xi32, #tpu.memory_space<hbm>> -> memref<12800xi32, #tpu.memory_space<hbm>>
      tpu.wait_dma2 semaphore(%run_scoped3A : memref<!tpu.dma_semaphore, #tpu.memory_space<semaphore_mem>>) src(%dma_wait3A_46 : memref<12800xi32, #tpu.memory_space<hbm>>) dst(%arg5 : memref<12800xi32, #tpu.memory_space<vmem>>)
      tpu.yield
    }) : () -> ()
    %mul3A_1 = arith.constant 12800 : i32
    %mul3A_2 = arith.muli %add3A, %mul3A_1 : i32
    %scan3A = arith.constant 0 : i32
    %scan3A_3 = arith.constant 5 : i32
    %scan3A_4 = arith.addi %scan3A, %scan3A_3 : i32
    %scan3A_5 = arith.constant 1 : i32
    scf.for %scan3A_36 = %scan3A to %scan3A_4 step %scan3A_5  : i32 {
      %mul3A_37 = arith.constant 2 : i32
      %mul3A_38 = arith.muli %scan3A_36, %mul3A_37 : i32
      %add3A_39 = arith.constant 0 : i32
      %add3A_40 = arith.addi %add3A_39, %mul3A_38 : i32
      %add3A_41 = arith.constant 0 : i32
      %add3A_42 = arith.addi %add3A_40, %add3A_41 : i32
      %ge3A = arith.constant 2 : i32
      %ge3A_43 = arith.cmpi sge, %add3A_42, %ge3A : i32
      %convert_element_type3A = arith.extui %ge3A_43 : i1 to i32
      %cond3A = arith.constant 0 : i32
      %cond3A_44 = arith.cmpi ne, %convert_element_type3A, %cond3A : i32
      scf.if %cond3A_44 {
        %sub3A = arith.constant 2 : i32
        %sub3A_127 = arith.subi %add3A_42, %sub3A : i32
        %mul3A_128 = arith.constant 1280 : i32
        %mul3A_129 = arith.muli %sub3A_127, %mul3A_128 : i32
        %add3A_130 = arith.addi %mul3A_2, %mul3A_129 : i32
        %dma_wait3A_131 = arith.constant 0 : i32
        %dma_wait3A_132 = arith.constant 0 : i32
        %dma_wait3A_133 = arith.constant 0 : i32
        %dma_wait3A_134 = tpu.memref_slice %arg6[%dma_wait3A_131, %dma_wait3A_132, %dma_wait3A_133] : memref<2x1280x64xbf16, #tpu.memory_space<vmem>> -> memref<1x1280x64xbf16, #tpu.memory_space<vmem>>
        %dma_wait3A_135 = tpu.memref_squeeze %dma_wait3A_134 : memref<1x1280x64xbf16, #tpu.memory_space<vmem>> -> memref<1280x64xbf16, #tpu.memory_space<vmem>>
        %dma_wait3A_136 = arith.constant 0 : i32
        %dma_wait3A_137 = tpu.memref_slice %arg4[%add3A_130, %dma_wait3A_136] : memref<409600x64xbf16, #tpu.memory_space<hbm>> -> memref<1280x64xbf16, #tpu.memory_space<hbm>>
        %dma_wait3A_138 = arith.constant 0 : i32
        %dma_wait3A_139 = tpu.memref_slice %arg4[%add3A_130, %dma_wait3A_138] : memref<409600x64xbf16, #tpu.memory_space<hbm>> -> memref<1280x64xbf16, #tpu.memory_space<hbm>>
        %dma_wait3A_140 = arith.constant 0 : i32
        %dma_wait3A_141 = arith.constant 0 : i32
        %dma_wait3A_142 = tpu.memref_slice %arg6[%dma_wait3A_131, %dma_wait3A_140, %dma_wait3A_141] : memref<2x1280x64xbf16, #tpu.memory_space<vmem>> -> memref<1x1280x64xbf16, #tpu.memory_space<vmem>>
        %dma_wait3A_143 = tpu.memref_squeeze %dma_wait3A_142 : memref<1x1280x64xbf16, #tpu.memory_space<vmem>> -> memref<1280x64xbf16, #tpu.memory_space<vmem>>
        tpu.wait_dma2 semaphore(%arg8 : memref<!tpu.dma_semaphore, #tpu.memory_space<semaphore_mem>>) src(%dma_wait3A_143 : memref<1280x64xbf16, #tpu.memory_space<vmem>>) dst(%dma_wait3A_139 : memref<1280x64xbf16, #tpu.memory_space<hbm>>)
      } else {
      }
      %mul3A_45 = arith.constant 1280 : i32
      %mul3A_46 = arith.muli %add3A_42, %mul3A_45 : i32
      %dma_start3A = arith.constant 0 : i32
      %dma_start3A_47 = arith.constant 0 : i32
      %dma_start3A_48 = arith.constant 0 : i32
      %dma_start3A_49 = tpu.memref_slice %arg6[%dma_start3A, %dma_start3A_47, %dma_start3A_48] : memref<2x1280x64xbf16, #tpu.memory_space<vmem>> -> memref<1x1280x64xbf16, #tpu.memory_space<vmem>>
      %dma_start3A_50 = tpu.memref_squeeze %dma_start3A_49 : memref<1x1280x64xbf16, #tpu.memory_space<vmem>> -> memref<1280x64xbf16, #tpu.memory_space<vmem>>
      %dma_start3A_51 = tpu.memref_slice %arg5[%mul3A_46] : memref<12800xi32, #tpu.memory_space<vmem>> -> memref<1280xi32, #tpu.memory_space<vmem>>
      %dma_start3A_52 = arith.constant 0 : i32
      %dma_start3A_53 = arith.constant 0 : i32
      %dma_start3A_54 = tpu.memref_slice %arg3[%dma_start3A_52, %dma_start3A_53] : memref<16384x64xbf16, #tpu.memory_space<hbm>> -> memref<16384x64xbf16, #tpu.memory_space<hbm>>
      tpu.enqueue_indirect_dma source(%dma_start3A_54 : memref<16384x64xbf16, #tpu.memory_space<hbm>>) target(%dma_start3A_50 : memref<1280x64xbf16, #tpu.memory_space<vmem>>) offsets(%dma_start3A_51 : memref<1280xi32, #tpu.memory_space<vmem>>) semaphore(%arg7 : memref<!tpu.dma_semaphore, #tpu.memory_space<semaphore_mem>>)
      %mul3A_55 = arith.constant 1280 : i32
      %mul3A_56 = arith.muli %add3A_42, %mul3A_55 : i32
      %dma_wait3A_57 = arith.constant 0 : i32
      %dma_wait3A_58 = arith.constant 0 : i32
      %dma_wait3A_59 = arith.constant 0 : i32
      %dma_wait3A_60 = tpu.memref_slice %arg6[%dma_wait3A_57, %dma_wait3A_58, %dma_wait3A_59] : memref<2x1280x64xbf16, #tpu.memory_space<vmem>> -> memref<1x1280x64xbf16, #tpu.memory_space<vmem>>
      %dma_wait3A_61 = tpu.memref_squeeze %dma_wait3A_60 : memref<1x1280x64xbf16, #tpu.memory_space<vmem>> -> memref<1280x64xbf16, #tpu.memory_space<vmem>>
      %dma_wait3A_62 = tpu.memref_slice %arg5[%mul3A_56] : memref<12800xi32, #tpu.memory_space<vmem>> -> memref<1280xi32, #tpu.memory_space<vmem>>
      %dma_wait3A_63 = arith.constant 0 : i32
      %dma_wait3A_64 = arith.constant 0 : i32
      %dma_wait3A_65 = tpu.memref_slice %arg3[%dma_wait3A_63, %dma_wait3A_64] : memref<16384x64xbf16, #tpu.memory_space<hbm>> -> memref<16384x64xbf16, #tpu.memory_space<hbm>>
      tpu.wait_indirect_dma semaphore(%arg7 : memref<!tpu.dma_semaphore, #tpu.memory_space<semaphore_mem>>) src(%dma_wait3A_65 : memref<16384x64xbf16, #tpu.memory_space<hbm>>) dst(%dma_wait3A_61 : memref<1280x64xbf16, #tpu.memory_space<vmem>>)
      %mul3A_66 = arith.constant 1280 : i32
      %mul3A_67 = arith.muli %add3A_42, %mul3A_66 : i32
      %add3A_68 = arith.addi %mul3A_2, %mul3A_67 : i32
      %dma_start3A_69 = arith.constant 0 : i32
      %dma_start3A_70 = arith.constant 0 : i32
      %dma_start3A_71 = arith.constant 0 : i32
      %dma_start3A_72 = tpu.memref_slice %arg6[%dma_start3A_69, %dma_start3A_70, %dma_start3A_71] : memref<2x1280x64xbf16, #tpu.memory_space<vmem>> -> memref<1x1280x64xbf16, #tpu.memory_space<vmem>>
      %dma_start3A_73 = tpu.memref_squeeze %dma_start3A_72 : memref<1x1280x64xbf16, #tpu.memory_space<vmem>> -> memref<1280x64xbf16, #tpu.memory_space<vmem>>
      %dma_start3A_74 = arith.constant 0 : i32
      %dma_start3A_75 = tpu.memref_slice %arg4[%add3A_68, %dma_start3A_74] : memref<409600x64xbf16, #tpu.memory_space<hbm>> -> memref<1280x64xbf16, #tpu.memory_space<hbm>>
      %dma_start3A_76 = arith.constant 0 : i32
      %dma_start3A_77 = tpu.memref_slice %arg4[%add3A_68, %dma_start3A_76] : memref<409600x64xbf16, #tpu.memory_space<hbm>> -> memref<1280x64xbf16, #tpu.memory_space<hbm>>
      %dma_start3A_78 = arith.constant 0 : i32
      %dma_start3A_79 = arith.constant 0 : i32
      %dma_start3A_80 = tpu.memref_slice %arg6[%dma_start3A_69, %dma_start3A_78, %dma_start3A_79] : memref<2x1280x64xbf16, #tpu.memory_space<vmem>> -> memref<1x1280x64xbf16, #tpu.memory_space<vmem>>
      %dma_start3A_81 = tpu.memref_squeeze %dma_start3A_80 : memref<1x1280x64xbf16, #tpu.memory_space<vmem>> -> memref<1280x64xbf16, #tpu.memory_space<vmem>>
      tpu.enqueue_dma source(%dma_start3A_81 : memref<1280x64xbf16, #tpu.memory_space<vmem>>) target(%dma_start3A_77 : memref<1280x64xbf16, #tpu.memory_space<hbm>>) target_semaphore(%arg8 : memref<!tpu.dma_semaphore, #tpu.memory_space<semaphore_mem>>)
      %add3A_82 = arith.constant 1 : i32
      %add3A_83 = arith.addi %add3A_40, %add3A_82 : i32
      %ge3A_84 = arith.constant 2 : i32
      %ge3A_85 = arith.cmpi sge, %add3A_83, %ge3A_84 : i32
      %convert_element_type3A_86 = arith.extui %ge3A_85 : i1 to i32
      %cond3A_87 = arith.constant 0 : i32
      %cond3A_88 = arith.cmpi ne, %convert_element_type3A_86, %cond3A_87 : i32
      scf.if %cond3A_88 {
        %sub3A = arith.constant 2 : i32
        %sub3A_127 = arith.subi %add3A_83, %sub3A : i32
        %mul3A_128 = arith.constant 1280 : i32
        %mul3A_129 = arith.muli %sub3A_127, %mul3A_128 : i32
        %add3A_130 = arith.addi %mul3A_2, %mul3A_129 : i32
        %dma_wait3A_131 = arith.constant 1 : i32
        %dma_wait3A_132 = arith.constant 0 : i32
        %dma_wait3A_133 = arith.constant 0 : i32
        %dma_wait3A_134 = tpu.memref_slice %arg6[%dma_wait3A_131, %dma_wait3A_132, %dma_wait3A_133] : memref<2x1280x64xbf16, #tpu.memory_space<vmem>> -> memref<1x1280x64xbf16, #tpu.memory_space<vmem>>
        %dma_wait3A_135 = tpu.memref_squeeze %dma_wait3A_134 : memref<1x1280x64xbf16, #tpu.memory_space<vmem>> -> memref<1280x64xbf16, #tpu.memory_space<vmem>>
        %dma_wait3A_136 = arith.constant 0 : i32
        %dma_wait3A_137 = tpu.memref_slice %arg4[%add3A_130, %dma_wait3A_136] : memref<409600x64xbf16, #tpu.memory_space<hbm>> -> memref<1280x64xbf16, #tpu.memory_space<hbm>>
        %dma_wait3A_138 = arith.constant 0 : i32
        %dma_wait3A_139 = tpu.memref_slice %arg4[%add3A_130, %dma_wait3A_138] : memref<409600x64xbf16, #tpu.memory_space<hbm>> -> memref<1280x64xbf16, #tpu.memory_space<hbm>>
        %dma_wait3A_140 = arith.constant 0 : i32
        %dma_wait3A_141 = arith.constant 0 : i32
        %dma_wait3A_142 = tpu.memref_slice %arg6[%dma_wait3A_131, %dma_wait3A_140, %dma_wait3A_141] : memref<2x1280x64xbf16, #tpu.memory_space<vmem>> -> memref<1x1280x64xbf16, #tpu.memory_space<vmem>>
        %dma_wait3A_143 = tpu.memref_squeeze %dma_wait3A_142 : memref<1x1280x64xbf16, #tpu.memory_space<vmem>> -> memref<1280x64xbf16, #tpu.memory_space<vmem>>
        tpu.wait_dma2 semaphore(%arg8 : memref<!tpu.dma_semaphore, #tpu.memory_space<semaphore_mem>>) src(%dma_wait3A_143 : memref<1280x64xbf16, #tpu.memory_space<vmem>>) dst(%dma_wait3A_139 : memref<1280x64xbf16, #tpu.memory_space<hbm>>)
      } else {
      }
      %mul3A_89 = arith.constant 1280 : i32
      %mul3A_90 = arith.muli %add3A_83, %mul3A_89 : i32
      %dma_start3A_91 = arith.constant 1 : i32
      %dma_start3A_92 = arith.constant 0 : i32
      %dma_start3A_93 = arith.constant 0 : i32
      %dma_start3A_94 = tpu.memref_slice %arg6[%dma_start3A_91, %dma_start3A_92, %dma_start3A_93] : memref<2x1280x64xbf16, #tpu.memory_space<vmem>> -> memref<1x1280x64xbf16, #tpu.memory_space<vmem>>
      %dma_start3A_95 = tpu.memref_squeeze %dma_start3A_94 : memref<1x1280x64xbf16, #tpu.memory_space<vmem>> -> memref<1280x64xbf16, #tpu.memory_space<vmem>>
      %dma_start3A_96 = tpu.memref_slice %arg5[%mul3A_90] : memref<12800xi32, #tpu.memory_space<vmem>> -> memref<1280xi32, #tpu.memory_space<vmem>>
      %dma_start3A_97 = arith.constant 0 : i32
      %dma_start3A_98 = arith.constant 0 : i32
      %dma_start3A_99 = tpu.memref_slice %arg3[%dma_start3A_97, %dma_start3A_98] : memref<16384x64xbf16, #tpu.memory_space<hbm>> -> memref<16384x64xbf16, #tpu.memory_space<hbm>>
      tpu.enqueue_indirect_dma source(%dma_start3A_99 : memref<16384x64xbf16, #tpu.memory_space<hbm>>) target(%dma_start3A_95 : memref<1280x64xbf16, #tpu.memory_space<vmem>>) offsets(%dma_start3A_96 : memref<1280xi32, #tpu.memory_space<vmem>>) semaphore(%arg7 : memref<!tpu.dma_semaphore, #tpu.memory_space<semaphore_mem>>)
      %mul3A_100 = arith.constant 1280 : i32
      %mul3A_101 = arith.muli %add3A_83, %mul3A_100 : i32
      %dma_wait3A_102 = arith.constant 1 : i32
      %dma_wait3A_103 = arith.constant 0 : i32
      %dma_wait3A_104 = arith.constant 0 : i32
      %dma_wait3A_105 = tpu.memref_slice %arg6[%dma_wait3A_102, %dma_wait3A_103, %dma_wait3A_104] : memref<2x1280x64xbf16, #tpu.memory_space<vmem>> -> memref<1x1280x64xbf16, #tpu.memory_space<vmem>>
      %dma_wait3A_106 = tpu.memref_squeeze %dma_wait3A_105 : memref<1x1280x64xbf16, #tpu.memory_space<vmem>> -> memref<1280x64xbf16, #tpu.memory_space<vmem>>
      %dma_wait3A_107 = tpu.memref_slice %arg5[%mul3A_101] : memref<12800xi32, #tpu.memory_space<vmem>> -> memref<1280xi32, #tpu.memory_space<vmem>>
      %dma_wait3A_108 = arith.constant 0 : i32
      %dma_wait3A_109 = arith.constant 0 : i32
      %dma_wait3A_110 = tpu.memref_slice %arg3[%dma_wait3A_108, %dma_wait3A_109] : memref<16384x64xbf16, #tpu.memory_space<hbm>> -> memref<16384x64xbf16, #tpu.memory_space<hbm>>
      tpu.wait_indirect_dma semaphore(%arg7 : memref<!tpu.dma_semaphore, #tpu.memory_space<semaphore_mem>>) src(%dma_wait3A_110 : memref<16384x64xbf16, #tpu.memory_space<hbm>>) dst(%dma_wait3A_106 : memref<1280x64xbf16, #tpu.memory_space<vmem>>)
      %mul3A_111 = arith.constant 1280 : i32
      %mul3A_112 = arith.muli %add3A_83, %mul3A_111 : i32
      %add3A_113 = arith.addi %mul3A_2, %mul3A_112 : i32
      %dma_start3A_114 = arith.constant 1 : i32
      %dma_start3A_115 = arith.constant 0 : i32
      %dma_start3A_116 = arith.constant 0 : i32
      %dma_start3A_117 = tpu.memref_slice %arg6[%dma_start3A_114, %dma_start3A_115, %dma_start3A_116] : memref<2x1280x64xbf16, #tpu.memory_space<vmem>> -> memref<1x1280x64xbf16, #tpu.memory_space<vmem>>
      %dma_start3A_118 = tpu.memref_squeeze %dma_start3A_117 : memref<1x1280x64xbf16, #tpu.memory_space<vmem>> -> memref<1280x64xbf16, #tpu.memory_space<vmem>>
      %dma_start3A_119 = arith.constant 0 : i32
      %dma_start3A_120 = tpu.memref_slice %arg4[%add3A_113, %dma_start3A_119] : memref<409600x64xbf16, #tpu.memory_space<hbm>> -> memref<1280x64xbf16, #tpu.memory_space<hbm>>
      %dma_start3A_121 = arith.constant 0 : i32
      %dma_start3A_122 = tpu.memref_slice %arg4[%add3A_113, %dma_start3A_121] : memref<409600x64xbf16, #tpu.memory_space<hbm>> -> memref<1280x64xbf16, #tpu.memory_space<hbm>>
      %dma_start3A_123 = arith.constant 0 : i32
      %dma_start3A_124 = arith.constant 0 : i32
      %dma_start3A_125 = tpu.memref_slice %arg6[%dma_start3A_114, %dma_start3A_123, %dma_start3A_124] : memref<2x1280x64xbf16, #tpu.memory_space<vmem>> -> memref<1x1280x64xbf16, #tpu.memory_space<vmem>>
      %dma_start3A_126 = tpu.memref_squeeze %dma_start3A_125 : memref<1x1280x64xbf16, #tpu.memory_space<vmem>> -> memref<1280x64xbf16, #tpu.memory_space<vmem>>
      tpu.enqueue_dma source(%dma_start3A_126 : memref<1280x64xbf16, #tpu.memory_space<vmem>>) target(%dma_start3A_122 : memref<1280x64xbf16, #tpu.memory_space<hbm>>) target_semaphore(%arg8 : memref<!tpu.dma_semaphore, #tpu.memory_space<semaphore_mem>>)
    }
    %scan3A_6 = arith.constant 5 : i32
    %add3A_7 = arith.constant 10240 : i32
    %add3A_8 = arith.addi %mul3A_2, %add3A_7 : i32
    %dma_wait3A = arith.constant 0 : i32
    %dma_wait3A_9 = arith.constant 0 : i32
    %dma_wait3A_10 = arith.constant 0 : i32
    %dma_wait3A_11 = tpu.memref_slice %arg6[%dma_wait3A, %dma_wait3A_9, %dma_wait3A_10] : memref<2x1280x64xbf16, #tpu.memory_space<vmem>> -> memref<1x1280x64xbf16, #tpu.memory_space<vmem>>
    %dma_wait3A_12 = tpu.memref_squeeze %dma_wait3A_11 : memref<1x1280x64xbf16, #tpu.memory_space<vmem>> -> memref<1280x64xbf16, #tpu.memory_space<vmem>>
    %dma_wait3A_13 = arith.constant 0 : i32
    %dma_wait3A_14 = tpu.memref_slice %arg4[%add3A_8, %dma_wait3A_13] : memref<409600x64xbf16, #tpu.memory_space<hbm>> -> memref<1280x64xbf16, #tpu.memory_space<hbm>>
    %dma_wait3A_15 = arith.constant 0 : i32
    %dma_wait3A_16 = tpu.memref_slice %arg4[%add3A_8, %dma_wait3A_15] : memref<409600x64xbf16, #tpu.memory_space<hbm>> -> memref<1280x64xbf16, #tpu.memory_space<hbm>>
    %dma_wait3A_17 = arith.constant 0 : i32
    %dma_wait3A_18 = arith.constant 0 : i32
    %dma_wait3A_19 = tpu.memref_slice %arg6[%dma_wait3A, %dma_wait3A_17, %dma_wait3A_18] : memref<2x1280x64xbf16, #tpu.memory_space<vmem>> -> memref<1x1280x64xbf16, #tpu.memory_space<vmem>>
    %dma_wait3A_20 = tpu.memref_squeeze %dma_wait3A_19 : memref<1x1280x64xbf16, #tpu.memory_space<vmem>> -> memref<1280x64xbf16, #tpu.memory_space<vmem>>
    tpu.wait_dma2 semaphore(%arg8 : memref<!tpu.dma_semaphore, #tpu.memory_space<semaphore_mem>>) src(%dma_wait3A_20 : memref<1280x64xbf16, #tpu.memory_space<vmem>>) dst(%dma_wait3A_16 : memref<1280x64xbf16, #tpu.memory_space<hbm>>)
    %add3A_21 = arith.constant 11520 : i32
    %add3A_22 = arith.addi %mul3A_2, %add3A_21 : i32
    %dma_wait3A_23 = arith.constant 1 : i32
    %dma_wait3A_24 = arith.constant 0 : i32
    %dma_wait3A_25 = arith.constant 0 : i32
    %dma_wait3A_26 = tpu.memref_slice %arg6[%dma_wait3A_23, %dma_wait3A_24, %dma_wait3A_25] : memref<2x1280x64xbf16, #tpu.memory_space<vmem>> -> memref<1x1280x64xbf16, #tpu.memory_space<vmem>>
    %dma_wait3A_27 = tpu.memref_squeeze %dma_wait3A_26 : memref<1x1280x64xbf16, #tpu.memory_space<vmem>> -> memref<1280x64xbf16, #tpu.memory_space<vmem>>
    %dma_wait3A_28 = arith.constant 0 : i32
    %dma_wait3A_29 = tpu.memref_slice %arg4[%add3A_22, %dma_wait3A_28] : memref<409600x64xbf16, #tpu.memory_space<hbm>> -> memref<1280x64xbf16, #tpu.memory_space<hbm>>
    %dma_wait3A_30 = arith.constant 0 : i32
    %dma_wait3A_31 = tpu.memref_slice %arg4[%add3A_22, %dma_wait3A_30] : memref<409600x64xbf16, #tpu.memory_space<hbm>> -> memref<1280x64xbf16, #tpu.memory_space<hbm>>
    %dma_wait3A_32 = arith.constant 0 : i32
    %dma_wait3A_33 = arith.constant 0 : i32
    %dma_wait3A_34 = tpu.memref_slice %arg6[%dma_wait3A_23, %dma_wait3A_32, %dma_wait3A_33] : memref<2x1280x64xbf16, #tpu.memory_space<vmem>> -> memref<1x1280x64xbf16, #tpu.memory_space<vmem>>
    %dma_wait3A_35 = tpu.memref_squeeze %dma_wait3A_34 : memref<1x1280x64xbf16, #tpu.memory_space<vmem>> -> memref<1280x64xbf16, #tpu.memory_space<vmem>>
    tpu.wait_dma2 semaphore(%arg8 : memref<!tpu.dma_semaphore, #tpu.memory_space<semaphore_mem>>) src(%dma_wait3A_35 : memref<1280x64xbf16, #tpu.memory_space<vmem>>) dst(%dma_wait3A_31 : memref<1280x64xbf16, #tpu.memory_space<hbm>>)
    return
  }
}

module attributes {stable_mosaic.version = 14 : i64} {
  func.func @_mm_body(%arg0: i32, %arg1: memref<2048x256xbf16, #tpu.memory_space<vmem>>, %arg2: memref<512x1024xbf16, #tpu.memory_space<vmem>>, %arg3: memref<1x1024x1024xf32, #tpu.memory_space<vmem>>) attributes {dimension_semantics = [#tpu.dimension_semantics<arbitrary>], iteration_bounds = array<i64: 50>, scalar_prefetch = 0 : i64, scratch_operands = 0 : i64, tpu.core_type = #tpu.core_type<tc>, window_params = [{transform_indices = @transform_0, window_bounds = array<i64: 2048, 256>}, {pipeline_mode = #tpu.pipeline_mode<synchronous>, transform_indices = @transform_1, window_bounds = array<i64: 512, 1024>}, {transform_indices = @transform_2, window_bounds = array<i64: 1, 1024, 1024>}]} {
    %get3A = arith.constant 0 : index
    %get3A_0 = arith.constant 0 : index
    %get3A_1 = vector.load %arg1[%get3A, %get3A_0] : memref<2048x256xbf16, #tpu.memory_space<vmem>>, vector<2048x256xbf16>
    %reshape3A = vector.shape_cast %get3A_1 : vector<2048x256xbf16> to vector<1024x512xbf16>
    %get3A_2 = arith.constant 0 : index
    %get3A_3 = arith.constant 0 : index
    %get3A_4 = vector.load %arg2[%get3A_2, %get3A_3] : memref<512x1024xbf16, #tpu.memory_space<vmem>>, vector<512x1024xbf16>
    %dot_general3A = arith.constant dense<0.000000e+00> : vector<1024x1024xf32>
    %dot_general3A_5 = tpu.matmul %reshape3A, %get3A_4, %dot_general3A {dimension_numbers = #tpu.dot_dimension_numbers<[1], [0], [0], [1], [0, 0, 1, 1], [], []>, transpose_lhs_hint = false} : vector<1024x512xbf16>, vector<512x1024xbf16>, vector<1024x1024xf32> -> vector<1024x1024xf32>
    %swap3A = arith.constant 0 : index
    %swap3A_6 = arith.constant 0 : index
    %swap3A_7 = arith.constant 0 : index
    %swap3A_8 = vector.load %arg3[%swap3A, %swap3A_6, %swap3A_7] : memref<1x1024x1024xf32, #tpu.memory_space<vmem>>, vector<1x1024x1024xf32>
    %swap3A_9 = vector.shape_cast %swap3A_8 : vector<1x1024x1024xf32> to vector<1024x1024xf32>
    %swap3A_10 = vector.shape_cast %dot_general3A_5 : vector<1024x1024xf32> to vector<1x1024x1024xf32>
    tpu.vector_store %arg3[%swap3A, %swap3A_6, %swap3A_7], %swap3A_10 {strides = array<i32>} : memref<1x1024x1024xf32, #tpu.memory_space<vmem>>, vector<1x1024x1024xf32>,
    return
  }
  func.func @transform_0(%arg0: i32) -> (i32, i32) {
    %c0_i32 = arith.constant 0 : i32
    %c0_i32_0 = arith.constant 0 : i32
    return %arg0, %c0_i32 : i32, i32
  }
  func.func @transform_1(%arg0: i32) -> (i32, i32) {
    %c0_i32 = arith.constant 0 : i32
    %c0_i32_0 = arith.constant 0 : i32
    %c0_i32_1 = arith.constant 0 : i32
    return %c0_i32, %c0_i32_0 : i32, i32
  }
  func.func @transform_2(%arg0: i32) -> (i32, i32, i32) {
    %c0_i32 = arith.constant 0 : i32
    %c0_i32_0 = arith.constant 0 : i32
    %c0_i32_1 = arith.constant 0 : i32
    return %arg0, %c0_i32, %c0_i32_0 : i32, i32, i32
  }
}

</mosaic_0001>

<sc_bundles>
// kernel: kernel.4.cloned.1.call-start
scs
__scs_entry_jumppad:
0x0: {  	(pc) =	sbr.rel $0x88, $3  }
0x1: {  	(tag) =	ssettag $0x0;
	lr =	simm.s32 $0x1  }
0x2: {  	[smem:$0x3F9E] =	sst lr;
	_ =	strace $0xD0000000  }
0x3: {  	_ = 	snop  }
0x4: {  	_ = 	snop  }
0x5: {  	_ = 	snop  }
0x6: {  	_ = 	snop  }
0x7: {  	_ = 	snop  }
__scs_overlays_trampoline_lowered:
0x8: {  	[smem:$0x3FAD] =	sst s0  }
0x9: {  	[smem:$0x3FAE] =	sst s1  }
0xa: {  	[smem:$0x3FAF] =	sst s2  }
0xb: {  	[smem:$0x3FB0] =	sst s3  }
0xc: {  	[smem:$0x3FB1] =	sst s4  }
0xd: {  	[smem:$0x3FB2] =	sst s5  }
0xe: {  	[smem:$0x3FB3] =	sst s6  }
0xf: {  	[smem:$0x3FB4] =	sst s7  }
0x10: {  	[smem:$0x3FB5] =	sst s8  }
0x11: {  	[smem:$0x3FB6] =	sst s9;
	s0 =	simm.s32 @!p0 $0x0  }
0x12: {  	s1 =	sld [smem:$0x3F9C];
	s0 =	simm.s32 @p0 $0x1  }
0x13: {  	[smem:$0x3FB7] =	sst s0;
	s0 =	simm.s32 @!p1 $0x0  }
0x14: {  	s2 =	sld [smem:$0x3F9B];
	s0 =	simm.s32 @p1 $0x1  }
0x15: {  	[smem:$0x3FB8] =	sst s0;
	s0 =	simm.s32 @!p2 $0x0  }
0x16: {  	s3 =	sld [smem:$0x3FDB];
	s0 =	simm.s32 @p2 $0x1  }
0x17: {  	s4 =	simm.s32 $0x1BF5;
	[smem:$0x3FBA] =	sst s0  }
0x18: {  	s0 =	sld [smem:$0x3F9D];
	_ =	swait.ge [sflag:s4], $0x0  }
0x19: {  	s7 =	sld [smem:$0x3F9E]  }
0x1a: {  	s8 =	sadd.s32 $0xFFFFE003, lr  }
0x1b: {  	s9 =	sadd.s32 $0xFFFFFEF7, lr;
	s5 =	simm.s32 $0xFFFFFFFF;
	p2 =	slt.u32 s8, $0xFFFFF086  }
0x1c: {  	p1 =	slt.u32 s9, $0xF7A;
	s5 =	simm.s32 @!p2 $0x0  }
0x1d: {  	s5 =	simm.s32 @p1 $0x1;
	p0 =	seq.s32 s7, s2  }
0x1e: {  	s7 =	smul.u32 @!p0 $0xF7A, s2;
	p2 =	seq.s32 @!p0 s5, $0x0  }
0x1f: {  	s9 =	smul.u32 $0xF7A, s1;
	s8 =	simm.s32 @!p0 $0x1BF5;
	p2 =	por !p2, p0  }
0x20: {  	[sflag:s8] =	ssyncset.s32 @!p0 $0xFFFFF086;
	s6 =	sadd.s32 @!p0 s3, s7;
	s7 =	simm.s32 @!p0 $0x108  }
0x21: {  	s3 =	sadd.s32 s3, s9;
	s6 =	sadd.s32 @!p0 $0x88, s6;
	s7 =	simm.s32 @p2 $0x1082  }
0x22: {  	[simem:s7], [sflag:s8] =	dma.local @!p0 [hbm:s6], $0xF7A  }
0x23: {  	s9 =	sor.u32 $0xD0000000, s2;
	s6 =	simm.s32 $0x108;
	_ =	swait.ge @!p0 [sflag:s8], $0x0  }
0x24: {  	s3 =	sadd.s32 $0x88, s3;
	s6 =	simm.s32 @!p1 $0x1082;
	[sflag:s4] =	ssyncset.s32 $0xFFFFF086  }
0x25: {  	[simem:s6], [sflag:s4] =	dma.local [hbm:s3], $0xF7A  }
0x26: {  	[smem:$0x3F9E] =	sst s1;
	(tag) =	ssettag s2;
	_ =	strace s9  }
0x27: {  	s1 =	sld [smem:$0x3FAE]  }
0x28: {  	s2 =	sld [smem:$0x3FAF]  }
0x29: {  	s4 =	sld [smem:$0x3FB1]  }
0x2a: {  	p0 =	seq.s32 s5, $0x0;
	s5 =	sld [smem:$0x3FB2]  }
0x2b: {  	s6 =	sld [smem:$0x3FB3]  }
0x2c: {  	s7 =	sld [smem:$0x3FB4]  }
0x2d: {  	s3 =	simm.s32 $0x108;
	s8 =	sld [smem:$0x3FB5]  }
0x2e: {  	s3 =	simm.s32 @!p0 $0x1082;
	s9 =	sld [smem:$0x3FB6]  }
0x2f: {  	lr =	sadd.s32 s0, s3;
	s0 =	sld [smem:$0x3FAD]  }
0x30: {  	s3 =	sld [smem:$0x3FB0]  }
0x31: {  	[smem:$0x3FB9] =	sst s10  }
0x32: {  	s10 =	sld [smem:$0x3FB7];
	_ =	sdelay $0x3  }
0x33: {  	p0 =	seq.s32 s10, $0x1;
	s10 =	sld [smem:$0x3FB9];
	_ =	sdelay $0x3  }
0x34: {  	[smem:$0x3FB9] =	sst s10  }
0x35: {  	s10 =	sld [smem:$0x3FB8];
	_ =	sdelay $0x3  }
0x36: {  	p1 =	seq.s32 s10, $0x1;
	s10 =	sld [smem:$0x3FB9];
	_ =	sdelay $0x3  }
0x37: {  	[smem:$0x3FB9] =	sst s10  }
0x38: {  	s10 =	sld [smem:$0x3FBA]  }
0x39: {  	_ = 	snop;
	(pc) =	sbr.ind lr, $3  }
0x3a: {  	_ = 	snop  }
0x3b: {  	_ = 	snop  }
0x3c: {  	p2 =	seq.s32 s10, $0x1;
	s10 =	sld [smem:$0x3FB9]  }
0x3d: {  	_ =	shalt  }
0x3e: {  	_ =	shalt  }
0x3f: {  	_ =	shalt  }
0x40: {  	_ =	shalt  }
0x41: {  	_ =	shalt  }
0x42: {  	_ =	shalt  }
0x43: {  	_ =	shalt  }
0x44: {  	_ =	shalt  }
0x45: {  	_ =	shalt  }
0x46: {  	_ =	shalt  }
0x47: {  	_ =	shalt  }
0x48: {  	_ =	shalt  }
0x49: {  	_ =	shalt  }
0x4a: {  	_ =	shalt  }
0x4b: {  	_ =	shalt  }
0x4c: {  	_ =	shalt  }
0x4d: {  	_ =	shalt  }
0x4e: {  	_ =	shalt  }
0x4f: {  	_ =	shalt  }
0x50: {  	_ =	shalt  }
0x51: {  	_ =	shalt  }
0x52: {  	_ =	shalt  }
0x53: {  	_ =	shalt  }
0x54: {  	_ =	shalt  }
0x55: {  	_ =	shalt  }
0x56: {  	_ =	shalt  }
0x57: {  	_ =	shalt  }
0x58: {  	_ =	shalt  }
0x59: {  	_ =	shalt  }
0x5a: {  	_ =	shalt  }
0x5b: {  	_ =	shalt  }
0x5c: {  	_ =	shalt  }
0x5d: {  	_ =	shalt  }
0x5e: {  	_ =	shalt  }
0x5f: {  	_ =	shalt  }
0x60: {  	_ =	shalt  }
0x61: {  	_ =	shalt  }
0x62: {  	_ =	shalt  }
0x63: {  	_ =	shalt  }
0x64: {  	_ =	shalt  }
0x65: {  	_ =	shalt  }
0x66: {  	_ =	shalt  }
0x67: {  	_ =	shalt  }
0x68: {  	_ =	shalt  }
0x69: {  	_ =	shalt  }
0x6a: {  	_ =	shalt  }
0x6b: {  	_ =	shalt  }
0x6c: {  	_ =	shalt  }
0x6d: {  	_ =	shalt  }
0x6e: {  	_ =	shalt  }
0x6f: {  	_ =	shalt  }
0x70: {  	_ =	shalt  }
0x71: {  	_ =	shalt  }
0x72: {  	_ =	shalt  }
0x73: {  	_ =	shalt  }
0x74: {  	_ =	shalt  }
0x75: {  	_ =	shalt  }
0x76: {  	_ =	shalt  }
0x77: {  	_ =	shalt  }
0x78: {  	_ =	shalt  }
0x79: {  	_ =	shalt  }
0x7a: {  	_ =	shalt  }
0x7b: {  	_ =	shalt  }
0x7c: {  	_ =	shalt  }
0x7d: {  	_ =	shalt  }
0x7e: {  	_ =	shalt  }
0x7f: {  	_ =	shalt  }
0x80: {  	_ =	shalt  }
0x81: {  	_ =	shalt  }
0x82: {  	_ =	shalt  }
0x83: {  	_ =	shalt  }
0x84: {  	_ =	shalt  }
0x85: {  	_ =	shalt  }
0x86: {  	_ =	shalt  }
0x87: {  	_ =	shalt  }
.Lfunc_end0:
.L_simem_size_0:
called_computation_lowered:
.L_overlay_start_0:
0x88: {  	s2 =	sld [smem:$0x3FD9]  }
0x89: {  	s3 =	sld [smem:$0x3FFE];
	_ =	sdelay $0x1  }
0x8a: {  	s1 =	srdreg.scid  }
0x8b: {  	s0 =	sand.u32 $0x1, s1  }
0x8c: {  	s17 =	sshll.u32 s0, $0xA;
	s2 =	sadd.s32 s3, s2  }
0x8d: {  	s2 =	sadd.s32 s2, s17  }
0x8e: {  	[smem:$0x3FC5] =	sst s2  }
0x8f: {  	_ = 	snop  }
0x90: {  	s2 =	sld [smem:$0x3FD0];
	(tm) =	ssettm $0x1  }
0x91: {  	s18 =	sld [smem:$0x3FFB];
	_ =	sdelay $0x3  }
0x92: {  	_ =	strace s18  }
0x93: {  	s3 =	sld [smem:$0x3FFC];
	_ =	sdelay $0x3  }
0x94: {  	_ =	strace s3  }
0x95: {  	s3 =	sld [smem:$0x3FFD];
	_ =	sdelay $0x3  }
0x96: {  	_ =	strace s3  }
0x97: {  	_ =	strace $0x8FFFFFFF  }
0x98: {  	s19 =	sld [smem:$0x3FDB];
	_ =	sdelay $0x1  }
0x99: {  	s4 =	simm.s32 $_scs_section_size  }
0x9a: {  	s5 =	simm.s32 $_size__tile_overlayer_lowered;
	s6 =	simm.s32 $_tile_overlayer_lowered  }
0x9b: {  	s22 =	simm.s32 $0x1BFF;
	s21 =	sshll.u32 s6, $0x1;
	s3 =	sadd.s32 s4, s19  }
0x9c: {  	s7 =	simm.s32 $0x0;
	s20 =	sshll.u32 s5, $0x1;
	s5 =	sadd.s32 s21, s3  }
0x9d: {  	[timem:s7], [sflag:s22] =	dma.local [hbm:s5], s20  }
0x9e: {  	_ =	swait.ge [sflag:s22], s20  }
0x9f: {  	s4 =	ssub.s32 $0x0, s20;
	[sflag:s22] =	ssyncset.done $0x0  }
0xa0: {  	[sflag:s22] =	ssyncadd.s32 s4;
	_ =	sdelay $0x1  }
0xa1: {  	s23 =	simm.s32 $0x1B8B  }
0xa2: {  	_ =	swait.ge [sflag:s23], $0x1  }
0xa3: {  	[sflag:s23] =	ssyncset.done $0x0  }
0xa4: {  	s25 =	simm.s32 $0x1B8E;
	s24 =	sld [smem:$0x3FFE];
	[sflag:s23] =	ssyncadd.s32 $0xFFFFFFFF  }
0xa5: {  	s26 =	simm.s32 $execute0_lowered;
	[smem:$0x3FD2] =	sst s25  }
0xa6: {  	s5 =	sshll.u32 s26, $0x1;
	_ =	strace $0x80000046;
	[dreg:$0x1] =	wrdreg $0xFFFFFFFF  }
0xa7: {  	s28 =	simm.s32 $_size_execute0_lowered;
	s3 =	sadd.s32 s3, s5;
	[dreg:$0x0] =	wrdreg $0x0  }
0xa8: {  	s5 =	sshll.u32 s28, $0x1;
	[dreg:$0x2] =	wrdreg s3  }
0xa9: {  	[dreg:$0x3] =	wrdreg s5  }
0xaa: {  	[dreg:$0x4] =	wrdreg $0xC0  }
0xab: {  	_ =	task [dreg:s7], $0x5FFFF  }
0xac: {  	[dreg:$0x1] =	wrdreg $0xFFFFFFFF  }
0xad: {  	[dreg:$0x0] =	wrdreg $0x60  }
0xae: {  	[dreg:$0x2] =	wrdreg s24  }
0xaf: {  	[dreg:$0x3] =	wrdreg s2  }
0xb0: {  	[dreg:$0x4] =	wrdreg $0x9  }
0xb1: {  	_ =	task.clear_ibuf [dreg:s7], $0x5FFFF;
	_ =	strace $0x90000046  }
0xb2: {  	s29 =	simm.s32 $0x9;
	_ =	strace $0x80000048  }
0xb3: {  	_ =	swait.ge [sflag:s29], $0x1  }
0xb4: {  	[sflag:s29] =	ssyncadd.s32 $0xFFFFFFFF  }
0xb5: {  	_ =	strace $0x90000048  }
0xb6: {  	_ =	sfence  }
0xb7: {  	s30 =	sld [smem:$0x0];
	_ =	sdelay $0x2  }
0xb8: {  	s31 =	sshll.u32 s1, $0xD;
	s1 =	sshrl.u32 s1, $0x2  }
0xb9: {  	s3 =	sand.u32 $0x4000, s31;
	s1 =	sadd.s32 s1, s30  }
0xba: {  	s0 =	sor.u32 s3, s0;
	s1 =	sshll.u32 s1, $0x11  }
0xbb: {  	s0 =	sor.u32 s1, s0  }
0xbc: {  	s0 =	sadd.s32 $0x8F2B, s0  }
0xbd: {  	[sflag:s0] =	ssyncadd.remote.s32 $0x1  }
0xbe: {  	_ =	sfence.sel $0xFFFF  }
0xbf: {  	[dreg:$0x0] =	wrdreg $0xFFFFFFFF;
	(pc) =	sbr.abs _section_cstart, $3  }
0xc0: {  	[dreg:$0x1] =	wrdreg $0xFFFFFFFF  }
0xc1: {  	_ =	task.clear_ibuf [dreg:s7], $0x2FFFF;
	_ =	strace $0x9FFFFFFF  }
0xc2: {  	(tm) =	ssettm $0x7FFFFFFF  }
0xc3: {  	_ =	shalt  }
tec
execute0_lowered:
.L_overlay_start_1:
0x0: {  	(tag) =	ssettag $0x1  }
0x1: {  	s1 =	srdreg.scid;
	s0 =	stileid.u32  }
0x2: {  	s29 =	sand.u32 $0x1, s1;
	s31 =	sshll.u32 s0, $0x1  }
0x3: {  	s6 =	sor.u32 s29, s31  }
0x4: {  	s9 =	rddreg [dreg:$0x0];
	s4 =	smul.u32 $0x640, s6  }
0x5: {  	s2 =	rddreg [dreg:$0x1];
	s3 =	simm.s32 $0x0  }
0x6: {  	s5 =	simm.s32 $0x3;
	[smem:$0x7FF] =	sst s3;
	s4 =	sadd.s32 s4, s9  }
0x7: {  	s1 =	rddreg [dreg:$0x2];
	_ =	strace $0x80000047;
	s4 =	sadd.s32 $0xA00, s4  }
0x8: {  	[tilespmem:s3], [sflag:$0x3] =	stream.linear.gather [hbm4b:s4+s3], $0x3200, $0x38;
	[tilespmem:$0x17200] =	vst v63  }
0x9: {  	_ =	swait.ge [sflag:s5], $0x3200  }
0xa: {  	s7 =	simm.s32 $0x3200;
	s8 =	simm.s32 $0x1;
	[sflag:s5] =	ssyncset.done $0x0  }
0xb: {  	s10 =	smul.u32 $0xC800, s6;
	s6 =	simm.s32 $0x500;
	[sflag:s5] =	ssyncadd.s32 $0xFFFFCE00  }
0xc: {  	[tilespmem:s7], [sflag:$0x1] =	stream.indirect.gather [hbm4b:s2+s6], $0x20, s3, s6, $0xb8;
	[tilespmem:$0x17200] =	vst v63  }
0xd: {  	_ =	swait.ge [sflag:s8], $0xA000  }
0xe: {  	s30 =	sadd.s32 s10, s9;
	[sflag:s8] =	ssyncset.done $0x0  }
0xf: {  	s9 =	sadd.s32 $0xD200, s30;
	[sflag:s8] =	ssyncadd.s32 $0xFFFF6000  }
0x10: {  	[hbm4b:s9+s3] =	stream.linear.scatter [tilespmem:s7], [sflag:$0x2], $0xA000, $0x38;
	[tilespmem:$0x17200] =	vst v63  }
0x11: {  	s10 =	simm.s32 $0xD200  }
0x12: {  	[tilespmem:s10], [sflag:$0x1] =	stream.indirect.gather [hbm4b:s2+s6], $0x20, s6, s6, $0xb8;
	[tilespmem:$0x17200] =	vst v63  }
0x13: {  	_ =	swait.ge [sflag:s8], $0xA000  }
0x14: {  	[sflag:s8] =	ssyncset.done $0x0  }
0x15: {  	s11 =	simm.s32 $0x2;
	s12 =	sadd.s32 $0xE600, s30;
	[sflag:s8] =	ssyncadd.s32 $0xFFFF6000  }
0x16: {  	[hbm4b:s12+s3] =	stream.linear.scatter [tilespmem:s10], [sflag:$0x2], $0xA000, $0x38;
	[tilespmem:$0x17200] =	vst v63  }
0x17: {  	_ =	swait.ge [sflag:s11], $0xA000  }
0x18: {  	[sflag:s11] =	ssyncset.done $0x0  }
0x19: {  	s13 =	simm.s32 $0xA00;
	[sflag:s11] =	ssyncadd.s32 $0xFFFF6000  }
0x1a: {  	[tilespmem:s7], [sflag:$0x1] =	stream.indirect.gather [hbm4b:s2+s6], $0x20, s13, s6, $0xb8;
	[tilespmem:$0x17200] =	vst v63  }
0x1b: {  	_ =	swait.ge [sflag:s8], $0xA000  }
0x1c: {  	[sflag:s8] =	ssyncset.done $0x0  }
0x1d: {  	s14 =	sadd.s32 $0xFA00, s30;
	[sflag:s8] =	ssyncadd.s32 $0xFFFF6000  }
0x1e: {  	[hbm4b:s14+s3] =	stream.linear.scatter [tilespmem:s7], [sflag:$0x2], $0xA000, $0x38;
	[tilespmem:$0x17200] =	vst v63  }
0x1f: {  	_ =	swait.ge [sflag:s11], $0xA000  }
0x20: {  	[sflag:s11] =	ssyncset.done $0x0  }
0x21: {  	s15 =	simm.s32 $0xF00;
	[sflag:s11] =	ssyncadd.s32 $0xFFFF6000  }
0x22: {  	[tilespmem:s10], [sflag:$0x1] =	stream.indirect.gather [hbm4b:s2+s6], $0x20, s15, s6, $0xb8;
	[tilespmem:$0x17200] =	vst v63  }
0x23: {  	_ =	swait.ge [sflag:s8], $0xA000  }
0x24: {  	[sflag:s8] =	ssyncset.done $0x0  }
0x25: {  	s16 =	sadd.s32 $0x10E00, s30;
	[sflag:s8] =	ssyncadd.s32 $0xFFFF6000  }
0x26: {  	[hbm4b:s16+s3] =	stream.linear.scatter [tilespmem:s10], [sflag:$0x2], $0xA000, $0x38;
	[tilespmem:$0x17200] =	vst v63  }
0x27: {  	_ =	swait.ge [sflag:s11], $0xA000  }
0x28: {  	[sflag:s11] =	ssyncset.done $0x0  }
0x29: {  	s17 =	simm.s32 $0x1400;
	[sflag:s11] =	ssyncadd.s32 $0xFFFF6000  }
0x2a: {  	[tilespmem:s7], [sflag:$0x1] =	stream.indirect.gather [hbm4b:s2+s6], $0x20, s17, s6, $0xb8;
	[tilespmem:$0x17200] =	vst v63  }
0x2b: {  	_ =	swait.ge [sflag:s8], $0xA000  }
0x2c: {  	[sflag:s8] =	ssyncset.done $0x0  }
0x2d: {  	s18 =	sadd.s32 $0x12200, s30;
	[sflag:s8] =	ssyncadd.s32 $0xFFFF6000  }
0x2e: {  	[hbm4b:s18+s3] =	stream.linear.scatter [tilespmem:s7], [sflag:$0x2], $0xA000, $0x38;
	[tilespmem:$0x17200] =	vst v63  }
0x2f: {  	_ =	swait.ge [sflag:s11], $0xA000  }
0x30: {  	[sflag:s11] =	ssyncset.done $0x0  }
0x31: {  	s19 =	simm.s32 $0x1900;
	[sflag:s11] =	ssyncadd.s32 $0xFFFF6000  }
0x32: {  	[tilespmem:s10], [sflag:$0x1] =	stream.indirect.gather [hbm4b:s2+s6], $0x20, s19, s6, $0xb8;
	[tilespmem:$0x17200] =	vst v63  }
0x33: {  	_ =	swait.ge [sflag:s8], $0xA000  }
0x34: {  	[sflag:s8] =	ssyncset.done $0x0  }
0x35: {  	s20 =	sadd.s32 $0x13600, s30;
	[sflag:s8] =	ssyncadd.s32 $0xFFFF6000  }
0x36: {  	[hbm4b:s20+s3] =	stream.linear.scatter [tilespmem:s10], [sflag:$0x2], $0xA000, $0x38;
	[tilespmem:$0x17200] =	vst v63  }
0x37: {  	_ =	swait.ge [sflag:s11], $0xA000  }
0x38: {  	[sflag:s11] =	ssyncset.done $0x0  }
0x39: {  	s21 =	simm.s32 $0x1E00;
	[sflag:s11] =	ssyncadd.s32 $0xFFFF6000  }
0x3a: {  	[tilespmem:s7], [sflag:$0x1] =	stream.indirect.gather [hbm4b:s2+s6], $0x20, s21, s6, $0xb8;
	[tilespmem:$0x17200] =	vst v63  }
0x3b: {  	_ =	swait.ge [sflag:s8], $0xA000  }
0x3c: {  	[sflag:s8] =	ssyncset.done $0x0  }
0x3d: {  	s22 =	sadd.s32 $0x14A00, s30;
	[sflag:s8] =	ssyncadd.s32 $0xFFFF6000  }
0x3e: {  	[hbm4b:s22+s3] =	stream.linear.scatter [tilespmem:s7], [sflag:$0x2], $0xA000, $0x38;
	[tilespmem:$0x17200] =	vst v63  }
0x3f: {  	_ =	swait.ge [sflag:s11], $0xA000  }
0x40: {  	[sflag:s11] =	ssyncset.done $0x0  }
0x41: {  	s23 =	simm.s32 $0x2300;
	[sflag:s11] =	ssyncadd.s32 $0xFFFF6000  }
0x42: {  	[tilespmem:s10], [sflag:$0x1] =	stream.indirect.gather [hbm4b:s2+s6], $0x20, s23, s6, $0xb8;
	[tilespmem:$0x17200] =	vst v63  }
0x43: {  	_ =	swait.ge [sflag:s8], $0xA000  }
0x44: {  	[sflag:s8] =	ssyncset.done $0x0  }
0x45: {  	s24 =	sadd.s32 $0x15E00, s30;
	[sflag:s8] =	ssyncadd.s32 $0xFFFF6000  }
0x46: {  	[hbm4b:s24+s3] =	stream.linear.scatter [tilespmem:s10], [sflag:$0x2], $0xA000, $0x38;
	[tilespmem:$0x17200] =	vst v63  }
0x47: {  	_ =	swait.ge [sflag:s11], $0xA000  }
0x48: {  	[sflag:s11] =	ssyncset.done $0x0  }
0x49: {  	s25 =	simm.s32 $0x2800;
	[sflag:s11] =	ssyncadd.s32 $0xFFFF6000  }
0x4a: {  	[tilespmem:s7], [sflag:$0x1] =	stream.indirect.gather [hbm4b:s2+s6], $0x20, s25, s6, $0xb8;
	[tilespmem:$0x17200] =	vst v63  }
0x4b: {  	_ =	swait.ge [sflag:s8], $0xA000  }
0x4c: {  	[sflag:s8] =	ssyncset.done $0x0  }
0x4d: {  	s26 =	sadd.s32 $0x17200, s30;
	[sflag:s8] =	ssyncadd.s32 $0xFFFF6000  }
0x4e: {  	[hbm4b:s26+s3] =	stream.linear.scatter [tilespmem:s7], [sflag:$0x2], $0xA000, $0x38;
	[tilespmem:$0x17200] =	vst v63  }
0x4f: {  	_ =	swait.ge [sflag:s11], $0xA000  }
0x50: {  	s28 =	simm.s32 $0x2D00;
	s31 =	ssub.s32 $0x2, s29;
	[sflag:s11] =	ssyncset.done $0x0  }
0x51: {  	s29 =	sadd.s32 $0x18600, s30;
	s30 =	sshrl.u32 s31, $0x1;
	[sflag:s11] =	ssyncadd.s32 $0xFFFF6000  }
0x52: {  	[tilespmem:s10], [sflag:$0x1] =	stream.indirect.gather [hbm4b:s2+s6], $0x20, s28, s6, $0xb8;
	[tilespmem:$0x17200] =	vst v63  }
0x53: {  	s30 =	ssub.s32 s31, s30;
	_ =	swait.ge [sflag:s8], $0xA000  }
0x54: {  	s30 =	smax.u32 s30, $0x1;
	[sflag:s8] =	ssyncset.done $0x0  }
0x55: {  	p0 =	sne.s32 s30, $0x1;
	[sflag:s8] =	ssyncadd.s32 $0xFFFF6000  }
0x56: {  	[hbm4b:s29+s3] =	stream.linear.scatter [tilespmem:s10], [sflag:$0x2], $0xA000, $0x38;
	[tilespmem:$0x17200] =	vst v63  }
.Ltmp0:
0x57: {  	_ =	swait.ge [sflag:s11], $0xA000;
	(pc) =	sbr.rel @!p0 .LBB2_2-.Ltmp0, $4  }
0x58: {  	[sflag:s11] =	ssyncset.done $0x0  }
0x59: {  	[sflag:s11] =	ssyncadd.s32 $0xFFFF6000  }
0x5a: {  	_ =	swait.ge [sflag:s11], $0xA000  }
0x5b: {  	s30 =	sadd.s32 $0xFFFFFFFF, s30;
	[sflag:s11] =	ssyncset.done $0x0  }
.LBB2_1:
0x5c: {  	p0 =	sne.s32 s30, $0x1;
	s30 =	sadd.s32 $0xFFFFFFFF, s30;
	[sflag:s11] =	ssyncadd.s32 $0xFFFF6000  }
0x5d: {  	[tilespmem:s3], [sflag:$0x3] =	stream.linear.gather [hbm4b:s4+s3], $0x3200, $0x38;
	[tilespmem:$0x17200] =	vst v63  }
0x5e: {  	_ =	swait.ge [sflag:s5], $0x3200  }
0x5f: {  	[sflag:s5] =	ssyncset.done $0x0  }
0x60: {  	[sflag:s5] =	ssyncadd.s32 $0xFFFFCE00  }
0x61: {  	[tilespmem:s7], [sflag:$0x1] =	stream.indirect.gather [hbm4b:s2+s6], $0x20, s3, s6, $0xb8;
	[tilespmem:$0x17200] =	vst v63  }
0x62: {  	_ =	swait.ge [sflag:s8], $0xA000  }
0x63: {  	[sflag:s8] =	ssyncset.done $0x0  }
0x64: {  	[sflag:s8] =	ssyncadd.s32 $0xFFFF6000  }
0x65: {  	[hbm4b:s9+s3] =	stream.linear.scatter [tilespmem:s7], [sflag:$0x2], $0xA000, $0x38;
	[tilespmem:$0x17200] =	vst v63  }
0x66: {  	_ = 	snop  }
0x67: {  	[tilespmem:s10], [sflag:$0x1] =	stream.indirect.gather [hbm4b:s2+s6], $0x20, s6, s6, $0xb8;
	[tilespmem:$0x17200] =	vst v63  }
0x68: {  	_ =	swait.ge [sflag:s8], $0xA000  }
0x69: {  	[sflag:s8] =	ssyncset.done $0x0  }
0x6a: {  	[sflag:s8] =	ssyncadd.s32 $0xFFFF6000  }
0x6b: {  	[hbm4b:s12+s3] =	stream.linear.scatter [tilespmem:s10], [sflag:$0x2], $0xA000, $0x38;
	[tilespmem:$0x17200] =	vst v63  }
0x6c: {  	_ =	swait.ge [sflag:s11], $0xA000  }
0x6d: {  	[sflag:s11] =	ssyncset.done $0x0  }
0x6e: {  	[sflag:s11] =	ssyncadd.s32 $0xFFFF6000  }
0x6f: {  	[tilespmem:s7], [sflag:$0x1] =	stream.indirect.gather [hbm4b:s2+s6], $0x20, s13, s6, $0xb8;
	[tilespmem:$0x17200] =	vst v63  }
0x70: {  	_ =	swait.ge [sflag:s8], $0xA000  }
0x71: {  	[sflag:s8] =	ssyncset.done $0x0  }
0x72: {  	[sflag:s8] =	ssyncadd.s32 $0xFFFF6000  }
0x73: {  	[hbm4b:s14+s3] =	stream.linear.scatter [tilespmem:s7], [sflag:$0x2], $0xA000, $0x38;
	[tilespmem:$0x17200] =	vst v63  }
0x74: {  	_ =	swait.ge [sflag:s11], $0xA000  }
0x75: {  	[sflag:s11] =	ssyncset.done $0x0  }
0x76: {  	[sflag:s11] =	ssyncadd.s32 $0xFFFF6000  }
0x77: {  	[tilespmem:s10], [sflag:$0x1] =	stream.indirect.gather [hbm4b:s2+s6], $0x20, s15, s6, $0xb8;
	[tilespmem:$0x17200] =	vst v63  }
0x78: {  	_ =	swait.ge [sflag:s8], $0xA000  }
0x79: {  	[sflag:s8] =	ssyncset.done $0x0  }
0x7a: {  	[sflag:s8] =	ssyncadd.s32 $0xFFFF6000  }
0x7b: {  	[hbm4b:s16+s3] =	stream.linear.scatter [tilespmem:s10], [sflag:$0x2], $0xA000, $0x38;
	[tilespmem:$0x17200] =	vst v63  }
0x7c: {  	_ =	swait.ge [sflag:s11], $0xA000  }
0x7d: {  	[sflag:s11] =	ssyncset.done $0x0  }
0x7e: {  	[sflag:s11] =	ssyncadd.s32 $0xFFFF6000  }
0x7f: {  	[tilespmem:s7], [sflag:$0x1] =	stream.indirect.gather [hbm4b:s2+s6], $0x20, s17, s6, $0xb8;
	[tilespmem:$0x17200] =	vst v63  }
0x80: {  	_ =	swait.ge [sflag:s8], $0xA000  }
0x81: {  	[sflag:s8] =	ssyncset.done $0x0  }
0x82: {  	[sflag:s8] =	ssyncadd.s32 $0xFFFF6000  }
0x83: {  	[hbm4b:s18+s3] =	stream.linear.scatter [tilespmem:s7], [sflag:$0x2], $0xA000, $0x38;
	[tilespmem:$0x17200] =	vst v63  }
0x84: {  	_ =	swait.ge [sflag:s11], $0xA000  }
0x85: {  	[sflag:s11] =	ssyncset.done $0x0  }
0x86: {  	[sflag:s11] =	ssyncadd.s32 $0xFFFF6000  }
0x87: {  	[tilespmem:s10], [sflag:$0x1] =	stream.indirect.gather [hbm4b:s2+s6], $0x20, s19, s6, $0xb8;
	[tilespmem:$0x17200] =	vst v63  }
0x88: {  	_ =	swait.ge [sflag:s8], $0xA000  }
0x89: {  	[sflag:s8] =	ssyncset.done $0x0  }
0x8a: {  	[sflag:s8] =	ssyncadd.s32 $0xFFFF6000  }
0x8b: {  	[hbm4b:s20+s3] =	stream.linear.scatter [tilespmem:s10], [sflag:$0x2], $0xA000, $0x38;
	[tilespmem:$0x17200] =	vst v63  }
0x8c: {  	_ =	swait.ge [sflag:s11], $0xA000  }
0x8d: {  	[sflag:s11] =	ssyncset.done $0x0  }
0x8e: {  	[sflag:s11] =	ssyncadd.s32 $0xFFFF6000  }
0x8f: {  	[tilespmem:s7], [sflag:$0x1] =	stream.indirect.gather [hbm4b:s2+s6], $0x20, s21, s6, $0xb8;
	[tilespmem:$0x17200] =	vst v63  }
0x90: {  	_ =	swait.ge [sflag:s8], $0xA000  }
0x91: {  	[sflag:s8] =	ssyncset.done $0x0  }
0x92: {  	[sflag:s8] =	ssyncadd.s32 $0xFFFF6000  }
0x93: {  	[hbm4b:s22+s3] =	stream.linear.scatter [tilespmem:s7], [sflag:$0x2], $0xA000, $0x38;
	[tilespmem:$0x17200] =	vst v63  }
0x94: {  	_ =	swait.ge [sflag:s11], $0xA000  }
0x95: {  	[sflag:s11] =	ssyncset.done $0x0  }
0x96: {  	[sflag:s11] =	ssyncadd.s32 $0xFFFF6000  }
0x97: {  	[tilespmem:s10], [sflag:$0x1] =	stream.indirect.gather [hbm4b:s2+s6], $0x20, s23, s6, $0xb8;
	[tilespmem:$0x17200] =	vst v63  }
0x98: {  	_ =	swait.ge [sflag:s8], $0xA000  }
0x99: {  	[sflag:s8] =	ssyncset.done $0x0  }
0x9a: {  	[sflag:s8] =	ssyncadd.s32 $0xFFFF6000  }
0x9b: {  	[hbm4b:s24+s3] =	stream.linear.scatter [tilespmem:s10], [sflag:$0x2], $0xA000, $0x38;
	[tilespmem:$0x17200] =	vst v63  }
0x9c: {  	_ =	swait.ge [sflag:s11], $0xA000  }
0x9d: {  	[sflag:s11] =	ssyncset.done $0x0  }
0x9e: {  	[sflag:s11] =	ssyncadd.s32 $0xFFFF6000  }
0x9f: {  	[tilespmem:s7], [sflag:$0x1] =	stream.indirect.gather [hbm4b:s2+s6], $0x20, s25, s6, $0xb8;
	[tilespmem:$0x17200] =	vst v63  }
0xa0: {  	_ =	swait.ge [sflag:s8], $0xA000  }
0xa1: {  	[sflag:s8] =	ssyncset.done $0x0  }
0xa2: {  	[sflag:s8] =	ssyncadd.s32 $0xFFFF6000  }
0xa3: {  	[hbm4b:s26+s3] =	stream.linear.scatter [tilespmem:s7], [sflag:$0x2], $0xA000, $0x38;
	[tilespmem:$0x17200] =	vst v63  }
0xa4: {  	_ =	swait.ge [sflag:s11], $0xA000  }
0xa5: {  	[sflag:s11] =	ssyncset.done $0x0  }
0xa6: {  	[sflag:s11] =	ssyncadd.s32 $0xFFFF6000  }
0xa7: {  	[tilespmem:s10], [sflag:$0x1] =	stream.indirect.gather [hbm4b:s2+s6], $0x20, s28, s6, $0xb8;
	[tilespmem:$0x17200] =	vst v63  }
0xa8: {  	_ =	swait.ge [sflag:s8], $0xA000  }
0xa9: {  	[sflag:s8] =	ssyncset.done $0x0  }
0xaa: {  	[sflag:s8] =	ssyncadd.s32 $0xFFFF6000  }
0xab: {  	[hbm4b:s29+s3] =	stream.linear.scatter [tilespmem:s10], [sflag:$0x2], $0xA000, $0x38;
	[tilespmem:$0x17200] =	vst v63  }
.Ltmp1:
0xac: {  	_ =	swait.ge [sflag:s11], $0xA000;
	(pc) =	sbr.rel @p0 .LBB2_1-.Ltmp1, $4  }
0xad: {  	[sflag:s11] =	ssyncset.done $0x0  }
0xae: {  	[sflag:s11] =	ssyncadd.s32 $0xFFFF6000  }
0xaf: {  	_ =	swait.ge [sflag:s11], $0xA000  }
0xb0: {  	[sflag:s11] =	ssyncset.done $0x0  }
.LBB2_2:
0xb1: {  	[sflag:s11] =	ssyncadd.s32 $0xFFFF6000  }
0xb2: {  	_ =	sfence.sel $0x180000  }
0xb3: {  	[bflag:$0x0] =	sbarrier.arrive $0xFFFF  }
0xb4: {  	p0 =	sne.s32 s0, $0x0;
	_ =	strace $0x90000047  }
0xb5: {  	s0 =	sadd.s32 @!p0 $0x100000, s1;
	[bflag:$0x2] =	sbarrier.arrive $0xFFFF  }
0xb6: {  	[sflag:s0] =	ssyncadd.tile.s32 @!p0 $0x1;
	_ =	shalt  }
.Lfunc_end2:
_tile_overlayer_lowered:
.L_overlay_start_2:
0xb7: {  	(tag) =	ssettag $0x2  }
0xb8: {  	s0 =	rddreg [dreg:$0x0];
	s2 =	stileid.u32  }
0xb9: {  	s1 =	rddreg [dreg:$0x1];
	p0 =	sne.s32 s2, $0x0  }
0xba: {  	s3 =	rddreg [dreg:$0x2];
	[bflag:$0x3] =	sbarrier.arrive $0xFFFF;
	s2 =	simm.s32 @!p0 $0x1C03  }
0xbb: {  	[timem:s3], [sflag:s2] =	dma.local @!p0 [hbm:s0], s1  }
0xbc: {  	s0 =	simm.s32 @!p0 $0x3  }
0xbd: {  	_ =	swait.ge @!p0 [sflag:s0], s1  }
0xbe: {  	s1 =	ssub.s32 @!p0 $0x0, s1;
	[sflag:s0] =	ssyncset.done @!p0 $0x0  }
0xbf: {  	[sflag:s0] =	ssyncadd.s32 @!p0 s1  }
0xc0: {  	[bflag:$0x3] =	sbarrier.arrive $0xFFFF  }
0xc1: {  	_ =	shalt  }

</sc_bundles>
